<compile_context>
chip_gen: v7x
topology: tpu7x:2x2x1
jax: 0.10.2.dev20260603
libtpu: 0.0.44.dev20260713+nightly
codegen_flags: <defaults>
</compile_context>

<pallas_src>
import functools

import jax
import jax.numpy as jnp
from jax import lax
from jax.experimental import pallas as pl
from jax.experimental.pallas import tpu as pltpu
from jax.experimental.pallas import tpu_sc as plsc

_B, _F, _V, _D, _ND = 16384, 26, 1000000, 16, 13
_NW = 32
_C = 128
_N = _B * _F
_CPW = _N // (_NW * _C)


def _sc_gather(idx2d, deep_table, wide_tab):
    mesh = plsc.VectorSubcoreMesh(core_axis_name="c", subcore_axis_name="s")
    nc = 2

    @functools.partial(
        pl.kernel,
        out_type=(
            jax.ShapeDtypeStruct((_N, _D), jnp.float32),
            jax.ShapeDtypeStruct((_N,), jnp.float32),
        ),
        mesh=mesh,
        compiler_params=pltpu.CompilerParams(use_tc_tiling_on_sc=False),
        scratch_types=[
            pltpu.VMEM((_CPW, _C), jnp.int32),
            pltpu.VMEM((_C, _D), jnp.float32),
            pltpu.VMEM((_C,), jnp.float32),
            pltpu.SemaphoreType.DMA,
            pltpu.SemaphoreType.DMA,
        ],
    )
    def k(idx_hbm, deep_hbm, wide_hbm, emb_out, wide_out,
          idx_v, rows_v, wvals_v, sem_d, sem_w):
        wid = lax.axis_index("s") * nc + lax.axis_index("c")
        row0 = wid * _CPW
        pltpu.sync_copy(idx_hbm.at[pl.ds(row0, _CPW)], idx_v)

        def chunk(j, _):
            cd = pltpu.async_copy(deep_hbm.at[idx_v.at[j]], rows_v, sem_d)
            cw = pltpu.async_copy(wide_hbm.at[idx_v.at[j]], wvals_v, sem_w)
            cd.wait()
            cw.wait()
            base = (row0 + j) * _C
            pltpu.sync_copy(rows_v, emb_out.at[pl.ds(base, _C)])
            pltpu.sync_copy(wvals_v, wide_out.at[pl.ds(base, _C)])
            return 0

        lax.fori_loop(0, _CPW, chunk, 0)

    return k(idx2d, deep_table, wide_tab)


def _mlp_body(emb_ref, dense_ref, wvals_ref, w1e_ref, w1d_ref, b1_ref,
              w2_ref, b2_ref, w3_ref, b3_ref, wcd_ref, wdw_ref, scal_ref,
              out_ref):
    f32 = jnp.float32
    h1 = jnp.dot(emb_ref[...], w1e_ref[...], preferred_element_type=f32)
    h1 = h1 + jnp.dot(dense_ref[...], w1d_ref[...], preferred_element_type=f32)
    h1 = jnp.maximum(h1 + b1_ref[...], 0.0)
    h2 = jnp.maximum(jnp.dot(h1, w2_ref[...], preferred_element_type=f32) + b2_ref[...], 0.0)
    h3 = jnp.maximum(jnp.dot(h2, w3_ref[...], preferred_element_type=f32) + b3_ref[...], 0.0)
    wc0 = scal_ref[0, 0]
    bc = scal_ref[0, 1]
    wdb = scal_ref[0, 2]
    wide = (jnp.sum(wvals_ref[...], axis=1, keepdims=True)
            + jnp.sum(dense_ref[...] * wdw_ref[...], axis=1, keepdims=True) + wdb)
    deep_out = jnp.sum(h3 * wcd_ref[...], axis=1, keepdims=True)
    out_ref[...] = wc0 * wide + deep_out + bc


def _mlp(emb, dense, wvals, w1e, w1d, b1, w2, b2, w3, b3, wcd, wdw, scal):
    blk = 1024
    grid = (_B // blk,)
    full = lambda a: pl.BlockSpec(a.shape, lambda i: (0, 0))
    return pl.pallas_call(
        _mlp_body,
        grid=grid,
        in_specs=[
            pl.BlockSpec((blk, _F * _D), lambda i: (i, 0)),
            pl.BlockSpec((blk, _ND), lambda i: (i, 0)),
            pl.BlockSpec((blk, _F), lambda i: (i, 0)),
            full(w1e), full(w1d), full(b1), full(w2), full(b2),
            full(w3), full(b3), full(wcd), full(wdw), full(scal),
        ],
        out_specs=pl.BlockSpec((blk, 1), lambda i: (i, 0)),
        out_shape=jax.ShapeDtypeStruct((_B, 1), jnp.float32),
    )(emb, dense, wvals, w1e, w1d, b1, w2, b2, w3, b3, wcd, wdw, scal)


def kernel(sparse_features, dense_features, wide_sparse_table, wide_dense_W,
           wide_dense_b, deep_table, W1, b1, W2, b2, W3, b3, Wc, bc):
    idx2d = sparse_features.astype(jnp.int32).reshape(_N // _C, _C)
    wide_tab = wide_sparse_table.reshape(-1)
    emb_flat, wide_flat = _sc_gather(idx2d, deep_table, wide_tab)
    emb = emb_flat.reshape(_B, _F * _D)
    wvals = wide_flat.reshape(_B, _F)

    ed = _F * _D
    w1e = W1[:, :ed].T
    w1d = W1[:, ed:].T
    scal = jnp.stack([Wc[0, 0], bc[0], wide_dense_b[0]]).reshape(1, 3)
    return _mlp(emb, dense_features, wvals,
                w1e, w1d, b1.reshape(1, -1),
                W2.T, b2.reshape(1, -1), W3.T, b3.reshape(1, -1),
                Wc[:, 1:], wide_dense_W, scal)

# --- scband reference (transcript-rebuilt; emitter-appended) ---
"""Pipeline reference for scband-wide-and-deep-21165598834996 (READ-ONLY COPY).

The authoritative reference and input builder live on the scoring server;
editing this copy changes nothing except your own understanding.
"""

import jax, jax.numpy as jnp
import numpy as np

B, F, V, D, ND = 16384, 26, 1000000, 16, 13
H1, H2, H3 = 256, 128, 64
MLP_IN = F * D + ND  # 429

def setup_inputs(seed: int = 0) -> dict:
    key = jax.random.key(seed)
    ks = jax.random.split(key, 16)
    sparse_features = jax.random.randint(ks[0], (B, F), 0, V, dtype=jnp.int64)
    dense_features = jax.random.normal(ks[1], (B, ND), dtype=jnp.float32)
    wide_sparse_table = jax.random.normal(ks[2], (V, 1), dtype=jnp.float32) * 0.01
    wide_dense_W = jax.random.normal(ks[3], (1, ND), dtype=jnp.float32) * 0.1
    wide_dense_b = jnp.zeros((1,), dtype=jnp.float32)
    deep_table = jax.random.normal(ks[4], (V, D), dtype=jnp.float32) * 0.01
    W1 = jax.random.normal(ks[5], (H1, MLP_IN), dtype=jnp.float32) * (1.0 / np.sqrt(MLP_IN))
    b1 = jnp.zeros((H1,), dtype=jnp.float32)
    W2 = jax.random.normal(ks[6], (H2, H1), dtype=jnp.float32) * (1.0 / np.sqrt(H1))
    b2 = jnp.zeros((H2,), dtype=jnp.float32)
    W3 = jax.random.normal(ks[7], (H3, H2), dtype=jnp.float32) * (1.0 / np.sqrt(H2))
    b3 = jnp.zeros((H3,), dtype=jnp.float32)
    Wc = jax.random.normal(ks[8], (1, 1 + H3), dtype=jnp.float32) * (1.0 / np.sqrt(1 + H3))
    bc = jnp.zeros((1,), dtype=jnp.float32)
    return {"sparse_features": sparse_features, "dense_features": dense_features,
            "wide_sparse_table": wide_sparse_table, "wide_dense_W": wide_dense_W, "wide_dense_b": wide_dense_b,
            "deep_table": deep_table, "W1": W1, "b1": b1, "W2": W2, "b2": b2, "W3": W3, "b3": b3,
            "Wc": Wc, "bc": bc}

def reference(sparse_features, dense_features, wide_sparse_table, wide_dense_W, wide_dense_b,
              deep_table, W1, b1, W2, b2, W3, b3, Wc, bc):
    # wide branch
    wide_sparse_out = jnp.take(wide_sparse_table, sparse_features, axis=0).sum(axis=1)  # [B,1]
    wide_dense_out = dense_features @ wide_dense_W.T + wide_dense_b  # [B,1]
    wide_out = wide_sparse_out + wide_dense_out
    # deep branch
    emb = jnp.take(deep_table, sparse_features, axis=0)  # [B,F,D]
    emb = emb.reshape(emb.shape[0], -1)  # [B, F*D]
    deep = jnp.concatenate([emb, dense_features], axis=1)
    deep = jax.nn.relu(deep @ W1.T + b1)
    deep = jax.nn.relu(deep @ W2.T + b2)
    deep = jax.nn.relu(deep @ W3.T + b3)
    concat = jnp.concatenate([wide_out, deep], axis=-1)
    logits = concat @ Wc.T + bc
    return logits

if __name__ == "__main__":
    import jax
    _d = setup_inputs()
    print(jax.jit(kernel)(*tuple(_d.values())))

</pallas_src>

<mosaic_0001>
#map = affine_map<(d0, d1) -> (0, 0)>
#map1 = affine_map<(d0, d1) -> (0)>
module attributes {stable_mosaic.version = 14 : i64} {
  func.func @k(%arg0: i32, %arg1: i32, %arg2: memref<3328x128xi32, #tpu.memory_space<hbm>>, %arg3: memref<1000000x16xf32, #tpu.memory_space<hbm>>, %arg4: memref<1000000xf32, #tpu.memory_space<hbm>>, %arg5: memref<425984x16xf32, #tpu.memory_space<hbm>>, %arg6: memref<425984xf32, #tpu.memory_space<hbm>>, %arg7: memref<104x128xi32, #tpu.memory_space<vmem>>, %arg8: memref<128x16xf32, #tpu.memory_space<vmem>>, %arg9: memref<128xf32, #tpu.memory_space<vmem>>, %arg10: memref<!tpu.dma_semaphore, #tpu.memory_space<semaphore_mem>>, %arg11: memref<!tpu.dma_semaphore, #tpu.memory_space<semaphore_mem>>) attributes {dimension_semantics = [#tpu.dimension_semantics<core_parallel>, #tpu.dimension_semantics<subcore_parallel>], iteration_bounds = array<i64: 2, 16>, scalar_prefetch = 0 : i64, scratch_operands = 5 : i64, tpu.core_type = #tpu.core_type<sc_vector_subcore>, window_params = [{transform_indices = #map}, {transform_indices = #map}, {transform_indices = #map1}, {transform_indices = #map}, {transform_indices = #map1}]} {
    %mul3A = arith.constant 2 : i32
    %mul3A_0 = arith.muli %arg1, %mul3A : i32
    %add3A = arith.addi %mul3A_0, %arg0 : i32
    %mul3A_1 = arith.constant 104 : i32
    %mul3A_2 = arith.muli %add3A, %mul3A_1 : i32
    "tpu.region"() ({
      %run_scoped3A = tpu.sem_alloc : memref<!tpu.dma_semaphore, #tpu.memory_space<semaphore_mem>>
      %dma_start3A = arith.constant 0 : i32
      %dma_start3A_9 = tpu.memref_slice %arg2[%mul3A_2, %dma_start3A] : memref<3328x128xi32, #tpu.memory_space<hbm>> -> memref<104x128xi32, #tpu.memory_space<hbm>>
      %dma_start3A_10 = arith.constant 0 : i32
      %dma_start3A_11 = tpu.memref_slice %arg2[%mul3A_2, %dma_start3A_10] : memref<3328x128xi32, #tpu.memory_space<hbm>> -> memref<104x128xi32, #tpu.memory_space<hbm>>
      tpu.enqueue_dma source(%dma_start3A_11 : memref<104x128xi32, #tpu.memory_space<hbm>>) target(%arg7 : memref<104x128xi32, #tpu.memory_space<vmem>>) target_semaphore(%run_scoped3A : memref<!tpu.dma_semaphore, #tpu.memory_space<semaphore_mem>>)
      %dma_wait3A = arith.constant 0 : i32
      %dma_wait3A_12 = tpu.memref_slice %arg2[%mul3A_2, %dma_wait3A] : memref<3328x128xi32, #tpu.memory_space<hbm>> -> memref<104x128xi32, #tpu.memory_space<hbm>>
      %dma_wait3A_13 = arith.constant 0 : i32
      %dma_wait3A_14 = tpu.memref_slice %arg2[%mul3A_2, %dma_wait3A_13] : memref<3328x128xi32, #tpu.memory_space<hbm>> -> memref<104x128xi32, #tpu.memory_space<hbm>>
      tpu.wait_dma2 semaphore(%run_scoped3A : memref<!tpu.dma_semaphore, #tpu.memory_space<semaphore_mem>>) src(%dma_wait3A_14 : memref<104x128xi32, #tpu.memory_space<hbm>>) dst(%arg7 : memref<104x128xi32, #tpu.memory_space<vmem>>)
      tpu.yield
    }) : () -> ()
    %scan3A = arith.constant 0 : i32
    %scan3A_3 = arith.constant 0 : i32
    %scan3A_4 = arith.constant 104 : i32
    %scan3A_5 = arith.addi %scan3A_3, %scan3A_4 : i32
    %scan3A_6 = arith.constant 1 : i32
    %scan3A_7 = scf.for %scan3A_9 = %scan3A_3 to %scan3A_5 step %scan3A_6 iter_args(%scan3A_10 = %scan3A) -> (i32)  : i32 {
      %dma_start3A = arith.constant 0 : i32
      %dma_start3A_11 = tpu.memref_slice %arg7[%scan3A_9, %dma_start3A] : memref<104x128xi32, #tpu.memory_space<vmem>> -> memref<1x128xi32, #tpu.memory_space<vmem>>
      %dma_start3A_12 = tpu.memref_squeeze %dma_start3A_11 : memref<1x128xi32, #tpu.memory_space<vmem>> -> memref<128xi32, #tpu.memory_space<vmem>>
      %dma_start3A_13 = arith.constant 0 : i32
      %dma_start3A_14 = arith.constant 0 : i32
      %dma_start3A_15 = tpu.memref_slice %arg3[%dma_start3A_13, %dma_start3A_14] : memref<1000000x16xf32, #tpu.memory_space<hbm>> -> memref<1000000x16xf32, #tpu.memory_space<hbm>>
      tpu.enqueue_indirect_dma source(%dma_start3A_15 : memref<1000000x16xf32, #tpu.memory_space<hbm>>) target(%arg8 : memref<128x16xf32, #tpu.memory_space<vmem>>) offsets(%dma_start3A_12 : memref<128xi32, #tpu.memory_space<vmem>>) semaphore(%arg10 : memref<!tpu.dma_semaphore, #tpu.memory_space<semaphore_mem>>)
      %dma_start3A_16 = arith.constant 0 : i32
      %dma_start3A_17 = tpu.memref_slice %arg7[%scan3A_9, %dma_start3A_16] : memref<104x128xi32, #tpu.memory_space<vmem>> -> memref<1x128xi32, #tpu.memory_space<vmem>>
      %dma_start3A_18 = tpu.memref_squeeze %dma_start3A_17 : memref<1x128xi32, #tpu.memory_space<vmem>> -> memref<128xi32, #tpu.memory_space<vmem>>
      %dma_start3A_19 = arith.constant 0 : i32
      %dma_start3A_20 = tpu.memref_slice %arg4[%dma_start3A_19] : memref<1000000xf32, #tpu.memory_space<hbm>> -> memref<1000000xf32, #tpu.memory_space<hbm>>
      tpu.enqueue_indirect_dma source(%dma_start3A_20 : memref<1000000xf32, #tpu.memory_space<hbm>>) target(%arg9 : memref<128xf32, #tpu.memory_space<vmem>>) offsets(%dma_start3A_18 : memref<128xi32, #tpu.memory_space<vmem>>) semaphore(%arg11 : memref<!tpu.dma_semaphore, #tpu.memory_space<semaphore_mem>>)
      %dma_wait3A = arith.constant 0 : i32
      %dma_wait3A_21 = tpu.memref_slice %arg7[%scan3A_9, %dma_wait3A] : memref<104x128xi32, #tpu.memory_space<vmem>> -> memref<1x128xi32, #tpu.memory_space<vmem>>
      %dma_wait3A_22 = tpu.memref_squeeze %dma_wait3A_21 : memref<1x128xi32, #tpu.memory_space<vmem>> -> memref<128xi32, #tpu.memory_space<vmem>>
      %dma_wait3A_23 = arith.constant 0 : i32
      %dma_wait3A_24 = arith.constant 0 : i32
      %dma_wait3A_25 = tpu.memref_slice %arg3[%dma_wait3A_23, %dma_wait3A_24] : memref<1000000x16xf32, #tpu.memory_space<hbm>> -> memref<1000000x16xf32, #tpu.memory_space<hbm>>
      tpu.wait_indirect_dma semaphore(%arg10 : memref<!tpu.dma_semaphore, #tpu.memory_space<semaphore_mem>>) src(%dma_wait3A_25 : memref<1000000x16xf32, #tpu.memory_space<hbm>>) dst(%arg8 : memref<128x16xf32, #tpu.memory_space<vmem>>)
      %dma_wait3A_26 = arith.constant 0 : i32
      %dma_wait3A_27 = tpu.memref_slice %arg7[%scan3A_9, %dma_wait3A_26] : memref<104x128xi32, #tpu.memory_space<vmem>> -> memref<1x128xi32, #tpu.memory_space<vmem>>
      %dma_wait3A_28 = tpu.memref_squeeze %dma_wait3A_27 : memref<1x128xi32, #tpu.memory_space<vmem>> -> memref<128xi32, #tpu.memory_space<vmem>>
      %dma_wait3A_29 = arith.constant 0 : i32
      %dma_wait3A_30 = tpu.memref_slice %arg4[%dma_wait3A_29] : memref<1000000xf32, #tpu.memory_space<hbm>> -> memref<1000000xf32, #tpu.memory_space<hbm>>
      tpu.wait_indirect_dma semaphore(%arg11 : memref<!tpu.dma_semaphore, #tpu.memory_space<semaphore_mem>>) src(%dma_wait3A_30 : memref<1000000xf32, #tpu.memory_space<hbm>>) dst(%arg9 : memref<128xf32, #tpu.memory_space<vmem>>)
      %add3A_31 = arith.addi %mul3A_2, %scan3A_9 : i32
      %mul3A_32 = arith.constant 128 : i32
      %mul3A_33 = arith.muli %add3A_31, %mul3A_32 : i32
      "tpu.region"() ({
        %run_scoped3A = tpu.sem_alloc : memref<!tpu.dma_semaphore, #tpu.memory_space<semaphore_mem>>
        %dma_start3A_35 = arith.constant 0 : i32
        %dma_start3A_36 = tpu.memref_slice %arg5[%mul3A_33, %dma_start3A_35] : memref<425984x16xf32, #tpu.memory_space<hbm>> -> memref<128x16xf32, #tpu.memory_space<hbm>>
        %dma_start3A_37 = arith.constant 0 : i32
        %dma_start3A_38 = tpu.memref_slice %arg5[%mul3A_33, %dma_start3A_37] : memref<425984x16xf32, #tpu.memory_space<hbm>> -> memref<128x16xf32, #tpu.memory_space<hbm>>
        tpu.enqueue_dma source(%arg8 : memref<128x16xf32, #tpu.memory_space<vmem>>) target(%dma_start3A_38 : memref<128x16xf32, #tpu.memory_space<hbm>>) target_semaphore(%run_scoped3A : memref<!tpu.dma_semaphore, #tpu.memory_space<semaphore_mem>>)
        %dma_wait3A_39 = arith.constant 0 : i32
        %dma_wait3A_40 = tpu.memref_slice %arg5[%mul3A_33, %dma_wait3A_39] : memref<425984x16xf32, #tpu.memory_space<hbm>> -> memref<128x16xf32, #tpu.memory_space<hbm>>
        %dma_wait3A_41 = arith.constant 0 : i32
        %dma_wait3A_42 = tpu.memref_slice %arg5[%mul3A_33, %dma_wait3A_41] : memref<425984x16xf32, #tpu.memory_space<hbm>> -> memref<128x16xf32, #tpu.memory_space<hbm>>
        tpu.wait_dma2 semaphore(%run_scoped3A : memref<!tpu.dma_semaphore, #tpu.memory_space<semaphore_mem>>) src(%arg8 : memref<128x16xf32, #tpu.memory_space<vmem>>) dst(%dma_wait3A_42 : memref<128x16xf32, #tpu.memory_space<hbm>>)
        tpu.yield
      }) : () -> ()
      "tpu.region"() ({
        %run_scoped3A = tpu.sem_alloc : memref<!tpu.dma_semaphore, #tpu.memory_space<semaphore_mem>>
        %dma_start3A_35 = tpu.memref_slice %arg6[%mul3A_33] : memref<425984xf32, #tpu.memory_space<hbm>> -> memref<128xf32, #tpu.memory_space<hbm>>
        %dma_start3A_36 = tpu.memref_slice %arg6[%mul3A_33] : memref<425984xf32, #tpu.memory_space<hbm>> -> memref<128xf32, #tpu.memory_space<hbm>>
        tpu.enqueue_dma source(%arg9 : memref<128xf32, #tpu.memory_space<vmem>>) target(%dma_start3A_36 : memref<128xf32, #tpu.memory_space<hbm>>) target_semaphore(%run_scoped3A : memref<!tpu.dma_semaphore, #tpu.memory_space<semaphore_mem>>)
        %dma_wait3A_37 = tpu.memref_slice %arg6[%mul3A_33] : memref<425984xf32, #tpu.memory_space<hbm>> -> memref<128xf32, #tpu.memory_space<hbm>>
        %dma_wait3A_38 = tpu.memref_slice %arg6[%mul3A_33] : memref<425984xf32, #tpu.memory_space<hbm>> -> memref<128xf32, #tpu.memory_space<hbm>>
        tpu.wait_dma2 semaphore(%run_scoped3A : memref<!tpu.dma_semaphore, #tpu.memory_space<semaphore_mem>>) src(%arg9 : memref<128xf32, #tpu.memory_space<vmem>>) dst(%dma_wait3A_38 : memref<128xf32, #tpu.memory_space<hbm>>)
        tpu.yield
      }) : () -> ()
      %scan3A_34 = arith.constant 0 : i32
      scf.yield %scan3A_34 : i32
    }
    %scan3A_8 = arith.constant 104 : i32
    return
  }
}

module attributes {stable_mosaic.version = 14 : i64} {
  func.func @_mlp_body(%arg0: i32, %arg1: memref<1024x416xf32, #tpu.memory_space<vmem>>, %arg2: memref<1024x13xf32, #tpu.memory_space<vmem>>, %arg3: memref<1024x26xf32, #tpu.memory_space<vmem>>, %arg4: memref<416x256xf32, #tpu.memory_space<vmem>>, %arg5: memref<13x256xf32, #tpu.memory_space<vmem>>, %arg6: memref<1x256xf32, #tpu.memory_space<vmem>>, %arg7: memref<256x128xf32, #tpu.memory_space<vmem>>, %arg8: memref<1x128xf32, #tpu.memory_space<vmem>>, %arg9: memref<128x64xf32, #tpu.memory_space<vmem>>, %arg10: memref<1x64xf32, #tpu.memory_space<vmem>>, %arg11: memref<1x64xf32, #tpu.memory_space<vmem>>, %arg12: memref<1x13xf32, #tpu.memory_space<vmem>>, %arg13: memref<1x3xf32, #tpu.memory_space<vmem>>, %arg14: memref<1024x1xf32, #tpu.memory_space<vmem>>) attributes {dimension_semantics = [#tpu.dimension_semantics<arbitrary>], iteration_bounds = array<i64: 16>, scalar_prefetch = 0 : i64, scratch_operands = 0 : i64, tpu.core_type = #tpu.core_type<tc>, window_params = [{transform_indices = @transform_0, window_bounds = array<i64: 1024, 416>}, {transform_indices = @transform_1, window_bounds = array<i64: 1024, 13>}, {transform_indices = @transform_2, window_bounds = array<i64: 1024, 26>}, {pipeline_mode = #tpu.pipeline_mode<synchronous>, transform_indices = @transform_3, window_bounds = array<i64: 416, 256>}, {pipeline_mode = #tpu.pipeline_mode<synchronous>, transform_indices = @transform_4, window_bounds = array<i64: 13, 256>}, {pipeline_mode = #tpu.pipeline_mode<synchronous>, transform_indices = @transform_5, window_bounds = array<i64: 1, 256>}, {pipeline_mode = #tpu.pipeline_mode<synchronous>, transform_indices = @transform_6, window_bounds = array<i64: 256, 128>}, {pipeline_mode = #tpu.pipeline_mode<synchronous>, transform_indices = @transform_7, window_bounds = array<i64: 1, 128>}, {pipeline_mode = #tpu.pipeline_mode<synchronous>, transform_indices = @transform_8, window_bounds = array<i64: 128, 64>}, {pipeline_mode = #tpu.pipeline_mode<synchronous>, transform_indices = @transform_9, window_bounds = array<i64: 1, 64>}, {pipeline_mode = #tpu.pipeline_mode<synchronous>, transform_indices = @transform_10, window_bounds = array<i64: 1, 64>}, {pipeline_mode = #tpu.pipeline_mode<synchronous>, transform_indices = @transform_11, window_bounds = array<i64: 1, 13>}, {pipeline_mode = #tpu.pipeline_mode<synchronous>, transform_indices = @transform_12, window_bounds = array<i64: 1, 3>}, {transform_indices = @transform_13, window_bounds = array<i64: 1024, 1>}]} {
    %get3A = arith.constant 0 : index
    %get3A_0 = arith.constant 0 : index
    %get3A_1 = vector.load %arg1[%get3A, %get3A_0] : memref<1024x416xf32, #tpu.memory_space<vmem>>, vector<1024x416xf32>
    %get3A_2 = arith.constant 0 : index
    %get3A_3 = arith.constant 0 : index
    %get3A_4 = vector.load %arg4[%get3A_2, %get3A_3] : memref<416x256xf32, #tpu.memory_space<vmem>>, vector<416x256xf32>
    %dot_general3A = arith.constant dense<0.000000e+00> : vector<1024x256xf32>
    %dot_general3A_5 = tpu.matmul %get3A_1, %get3A_4, %dot_general3A {dimension_numbers = #tpu.dot_dimension_numbers<[1], [0], [0], [1], [0, 0, 1, 1], [], []>, transpose_lhs_hint = false} : vector<1024x416xf32>, vector<416x256xf32>, vector<1024x256xf32> -> vector<1024x256xf32>
    %get3A_6 = arith.constant 0 : index
    %get3A_7 = arith.constant 0 : index
    %get3A_8 = vector.load %arg2[%get3A_6, %get3A_7] : memref<1024x13xf32, #tpu.memory_space<vmem>>, vector<1024x13xf32>
    %get3A_9 = arith.constant 0 : index
    %get3A_10 = arith.constant 0 : index
    %get3A_11 = vector.load %arg5[%get3A_9, %get3A_10] : memref<13x256xf32, #tpu.memory_space<vmem>>, vector<13x256xf32>
    %dot_general3A_12 = arith.constant dense<0.000000e+00> : vector<1024x256xf32>
    %dot_general3A_13 = tpu.matmul %get3A_8, %get3A_11, %dot_general3A_12 {dimension_numbers = #tpu.dot_dimension_numbers<[1], [0], [0], [1], [0, 0, 1, 1], [], []>, transpose_lhs_hint = false} : vector<1024x13xf32>, vector<13x256xf32>, vector<1024x256xf32> -> vector<1024x256xf32>
    %add3A = arith.addf %dot_general3A_5, %dot_general3A_13 : vector<1024x256xf32>
    %get3A_14 = arith.constant 0 : index
    %get3A_15 = arith.constant 0 : index
    %get3A_16 = vector.load %arg6[%get3A_14, %get3A_15] : memref<1x256xf32, #tpu.memory_space<vmem>>, vector<1x256xf32>
    %add3A_17 = vector.broadcast %get3A_16 : vector<1x256xf32> to vector<1024x256xf32>
    %add3A_18 = arith.addf %add3A, %add3A_17 : vector<1024x256xf32>
    %max3A = arith.constant 0.000000e+00 : f32
    %max3A_19 = vector.broadcast %max3A : f32 to vector<1024x256xf32>
    %max3A_20 = arith.maximumf %add3A_18, %max3A_19 : vector<1024x256xf32>
    %get3A_21 = arith.constant 0 : index
    %get3A_22 = arith.constant 0 : index
    %get3A_23 = vector.load %arg7[%get3A_21, %get3A_22] : memref<256x128xf32, #tpu.memory_space<vmem>>, vector<256x128xf32>
    %dot_general3A_24 = arith.constant dense<0.000000e+00> : vector<1024x128xf32>
    %dot_general3A_25 = tpu.matmul %max3A_20, %get3A_23, %dot_general3A_24 {dimension_numbers = #tpu.dot_dimension_numbers<[1], [0], [0], [1], [0, 0, 1, 1], [], []>, transpose_lhs_hint = false} : vector<1024x256xf32>, vector<256x128xf32>, vector<1024x128xf32> -> vector<1024x128xf32>
    %get3A_26 = arith.constant 0 : index
    %get3A_27 = arith.constant 0 : index
    %get3A_28 = vector.load %arg8[%get3A_26, %get3A_27] : memref<1x128xf32, #tpu.memory_space<vmem>>, vector<1x128xf32>
    %add3A_29 = vector.broadcast %get3A_28 : vector<1x128xf32> to vector<1024x128xf32>
    %add3A_30 = arith.addf %dot_general3A_25, %add3A_29 : vector<1024x128xf32>
    %max3A_31 = arith.constant 0.000000e+00 : f32
    %max3A_32 = vector.broadcast %max3A_31 : f32 to vector<1024x128xf32>
    %max3A_33 = arith.maximumf %add3A_30, %max3A_32 : vector<1024x128xf32>
    %get3A_34 = arith.constant 0 : index
    %get3A_35 = arith.constant 0 : index
    %get3A_36 = vector.load %arg9[%get3A_34, %get3A_35] : memref<128x64xf32, #tpu.memory_space<vmem>>, vector<128x64xf32>
    %dot_general3A_37 = arith.constant dense<0.000000e+00> : vector<1024x64xf32>
    %dot_general3A_38 = tpu.matmul %max3A_33, %get3A_36, %dot_general3A_37 {dimension_numbers = #tpu.dot_dimension_numbers<[1], [0], [0], [1], [0, 0, 1, 1], [], []>, transpose_lhs_hint = false} : vector<1024x128xf32>, vector<128x64xf32>, vector<1024x64xf32> -> vector<1024x64xf32>
    %get3A_39 = arith.constant 0 : index
    %get3A_40 = arith.constant 0 : index
    %get3A_41 = vector.load %arg10[%get3A_39, %get3A_40] : memref<1x64xf32, #tpu.memory_space<vmem>>, vector<1x64xf32>
    %add3A_42 = vector.broadcast %get3A_41 : vector<1x64xf32> to vector<1024x64xf32>
    %add3A_43 = arith.addf %dot_general3A_38, %add3A_42 : vector<1024x64xf32>
    %max3A_44 = arith.constant 0.000000e+00 : f32
    %max3A_45 = vector.broadcast %max3A_44 : f32 to vector<1024x64xf32>
    %max3A_46 = arith.maximumf %add3A_43, %max3A_45 : vector<1024x64xf32>
    %get3A_47 = arith.constant 0 : index
    %get3A_48 = arith.constant 0 : index
    %get3A_49 = vector.load %arg13[%get3A_47, %get3A_48] : memref<1x3xf32, #tpu.memory_space<vmem>>, vector<1x1xf32>
    %get3A_50 = vector.extract %get3A_49[0, 0] : f32 from vector<1x1xf32>
    %get3A_51 = arith.constant 0 : index
    %get3A_52 = arith.constant 1 : index
    %get3A_53 = vector.load %arg13[%get3A_51, %get3A_52] : memref<1x3xf32, #tpu.memory_space<vmem>>, vector<1x1xf32>
    %get3A_54 = vector.extract %get3A_53[0, 0] : f32 from vector<1x1xf32>
    %get3A_55 = arith.constant 0 : index
    %get3A_56 = arith.constant 2 : index
    %get3A_57 = vector.load %arg13[%get3A_55, %get3A_56] : memref<1x3xf32, #tpu.memory_space<vmem>>, vector<1x1xf32>
    %get3A_58 = vector.extract %get3A_57[0, 0] : f32 from vector<1x1xf32>
    %get3A_59 = arith.constant 0 : index
    %get3A_60 = arith.constant 0 : index
    %get3A_61 = vector.load %arg3[%get3A_59, %get3A_60] : memref<1024x26xf32, #tpu.memory_space<vmem>>, vector<1024x26xf32>
    %reduce_sum3A = arith.constant dense<0.000000e+00> : vector<1024xf32>
    %reduce_sum3A_62 = vector.multi_reduction <add>, %get3A_61, %reduce_sum3A [1] : vector<1024x26xf32> to vector<1024xf32>
    %broadcast_in_dim3A = vector.shape_cast %reduce_sum3A_62 : vector<1024xf32> to vector<1024x1xf32>
    %get3A_63 = arith.constant 0 : index
    %get3A_64 = arith.constant 0 : index
    %get3A_65 = vector.load %arg2[%get3A_63, %get3A_64] : memref<1024x13xf32, #tpu.memory_space<vmem>>, vector<1024x13xf32>
    %get3A_66 = arith.constant 0 : index
    %get3A_67 = arith.constant 0 : index
    %get3A_68 = vector.load %arg12[%get3A_66, %get3A_67] : memref<1x13xf32, #tpu.memory_space<vmem>>, vector<1x13xf32>
    %mul3A = vector.broadcast %get3A_68 : vector<1x13xf32> to vector<1024x13xf32>
    %mul3A_69 = arith.mulf %get3A_65, %mul3A : vector<1024x13xf32>
    %reduce_sum3A_70 = arith.constant dense<0.000000e+00> : vector<1024xf32>
    %reduce_sum3A_71 = vector.multi_reduction <add>, %mul3A_69, %reduce_sum3A_70 [1] : vector<1024x13xf32> to vector<1024xf32>
    %broadcast_in_dim3A_72 = vector.shape_cast %reduce_sum3A_71 : vector<1024xf32> to vector<1024x1xf32>
    %add3A_73 = arith.addf %broadcast_in_dim3A, %broadcast_in_dim3A_72 : vector<1024x1xf32>
    %add3A_74 = vector.broadcast %get3A_58 : f32 to vector<1024x1xf32>
    %add3A_75 = arith.addf %add3A_73, %add3A_74 : vector<1024x1xf32>
    %get3A_76 = arith.constant 0 : index
    %get3A_77 = arith.constant 0 : index
    %get3A_78 = vector.load %arg11[%get3A_76, %get3A_77] : memref<1x64xf32, #tpu.memory_space<vmem>>, vector<1x64xf32>
    %mul3A_79 = vector.broadcast %get3A_78 : vector<1x64xf32> to vector<1024x64xf32>
    %mul3A_80 = arith.mulf %max3A_46, %mul3A_79 : vector<1024x64xf32>
    %reduce_sum3A_81 = arith.constant dense<0.000000e+00> : vector<1024xf32>
    %reduce_sum3A_82 = vector.multi_reduction <add>, %mul3A_80, %reduce_sum3A_81 [1] : vector<1024x64xf32> to vector<1024xf32>
    %broadcast_in_dim3A_83 = vector.shape_cast %reduce_sum3A_82 : vector<1024xf32> to vector<1024x1xf32>
    %mul3A_84 = vector.broadcast %get3A_50 : f32 to vector<1024x1xf32>
    %mul3A_85 = arith.mulf %mul3A_84, %add3A_75 : vector<1024x1xf32>
    %add3A_86 = arith.addf %mul3A_85, %broadcast_in_dim3A_83 : vector<1024x1xf32>
    %add3A_87 = vector.broadcast %get3A_54 : f32 to vector<1024x1xf32>
    %add3A_88 = arith.addf %add3A_86, %add3A_87 : vector<1024x1xf32>
    %swap3A = arith.constant 0 : index
    %swap3A_89 = arith.constant 0 : index
    %swap3A_90 = vector.load %arg14[%swap3A, %swap3A_89] : memref<1024x1xf32, #tpu.memory_space<vmem>>, vector<1024x1xf32>
    tpu.vector_store %arg14[%swap3A, %swap3A_89], %add3A_88 {strides = array<i32>} : memref<1024x1xf32, #tpu.memory_space<vmem>>, vector<1024x1xf32>,
    return
  }
  func.func @transform_0(%arg0: i32) -> (i32, i32) {
    %c0_i32 = arith.constant 0 : i32
    %c0_i32_0 = arith.constant 0 : i32
    return %arg0, %c0_i32 : i32, i32
  }
  func.func @transform_1(%arg0: i32) -> (i32, i32) {
    %c0_i32 = arith.constant 0 : i32
    %c0_i32_0 = arith.constant 0 : i32
    return %arg0, %c0_i32 : i32, i32
  }
  func.func @transform_2(%arg0: i32) -> (i32, i32) {
    %c0_i32 = arith.constant 0 : i32
    %c0_i32_0 = arith.constant 0 : i32
    return %arg0, %c0_i32 : i32, i32
  }
  func.func @transform_3(%arg0: i32) -> (i32, i32) {
    %c0_i32 = arith.constant 0 : i32
    %c0_i32_0 = arith.constant 0 : i32
    %c0_i32_1 = arith.constant 0 : i32
    return %c0_i32, %c0_i32_0 : i32, i32
  }
  func.func @transform_4(%arg0: i32) -> (i32, i32) {
    %c0_i32 = arith.constant 0 : i32
    %c0_i32_0 = arith.constant 0 : i32
    %c0_i32_1 = arith.constant 0 : i32
    return %c0_i32, %c0_i32_0 : i32, i32
  }
  func.func @transform_5(%arg0: i32) -> (i32, i32) {
    %c0_i32 = arith.constant 0 : i32
    %c0_i32_0 = arith.constant 0 : i32
    %c0_i32_1 = arith.constant 0 : i32
    return %c0_i32, %c0_i32_0 : i32, i32
  }
  func.func @transform_6(%arg0: i32) -> (i32, i32) {
    %c0_i32 = arith.constant 0 : i32
    %c0_i32_0 = arith.constant 0 : i32
    %c0_i32_1 = arith.constant 0 : i32
    return %c0_i32, %c0_i32_0 : i32, i32
  }
  func.func @transform_7(%arg0: i32) -> (i32, i32) {
    %c0_i32 = arith.constant 0 : i32
    %c0_i32_0 = arith.constant 0 : i32
    %c0_i32_1 = arith.constant 0 : i32
    return %c0_i32, %c0_i32_0 : i32, i32
  }
  func.func @transform_8(%arg0: i32) -> (i32, i32) {
    %c0_i32 = arith.constant 0 : i32
    %c0_i32_0 = arith.constant 0 : i32
    %c0_i32_1 = arith.constant 0 : i32
    return %c0_i32, %c0_i32_0 : i32, i32
  }
  func.func @transform_9(%arg0: i32) -> (i32, i32) {
    %c0_i32 = arith.constant 0 : i32
    %c0_i32_0 = arith.constant 0 : i32
    %c0_i32_1 = arith.constant 0 : i32
    return %c0_i32, %c0_i32_0 : i32, i32
  }
  func.func @transform_10(%arg0: i32) -> (i32, i32) {
    %c0_i32 = arith.constant 0 : i32
    %c0_i32_0 = arith.constant 0 : i32
    %c0_i32_1 = arith.constant 0 : i32
    return %c0_i32, %c0_i32_0 : i32, i32
  }
  func.func @transform_11(%arg0: i32) -> (i32, i32) {
    %c0_i32 = arith.constant 0 : i32
    %c0_i32_0 = arith.constant 0 : i32
    %c0_i32_1 = arith.constant 0 : i32
    return %c0_i32, %c0_i32_0 : i32, i32
  }
  func.func @transform_12(%arg0: i32) -> (i32, i32) {
    %c0_i32 = arith.constant 0 : i32
    %c0_i32_0 = arith.constant 0 : i32
    %c0_i32_1 = arith.constant 0 : i32
    return %c0_i32, %c0_i32_0 : i32, i32
  }
  func.func @transform_13(%arg0: i32) -> (i32, i32) {
    %c0_i32 = arith.constant 0 : i32
    %c0_i32_0 = arith.constant 0 : i32
    return %arg0, %c0_i32 : i32, i32
  }
}

</mosaic_0001>

<sc_bundles>
// kernel: kernel.4.cloned.1.call-start
scs
__scs_entry_jumppad:
0x0: {  	(pc) =	sbr.rel $0x88, $3  }
0x1: {  	(tag) =	ssettag $0x0;
	lr =	simm.s32 $0x1  }
0x2: {  	[smem:$0x3F93] =	sst lr;
	_ =	strace $0xD0000000  }
0x3: {  	_ = 	snop  }
0x4: {  	_ = 	snop  }
0x5: {  	_ = 	snop  }
0x6: {  	_ = 	snop  }
0x7: {  	_ = 	snop  }
__scs_overlays_trampoline_lowered:
0x8: {  	[smem:$0x3FA2] =	sst s0  }
0x9: {  	[smem:$0x3FA3] =	sst s1  }
0xa: {  	[smem:$0x3FA4] =	sst s2  }
0xb: {  	[smem:$0x3FA5] =	sst s3  }
0xc: {  	[smem:$0x3FA6] =	sst s4  }
0xd: {  	[smem:$0x3FA7] =	sst s5  }
0xe: {  	[smem:$0x3FA8] =	sst s6  }
0xf: {  	[smem:$0x3FA9] =	sst s7  }
0x10: {  	[smem:$0x3FAA] =	sst s8  }
0x11: {  	[smem:$0x3FAB] =	sst s9;
	s0 =	simm.s32 @!p0 $0x0  }
0x12: {  	s1 =	sld [smem:$0x3F91];
	s0 =	simm.s32 @p0 $0x1  }
0x13: {  	[smem:$0x3FAC] =	sst s0;
	s0 =	simm.s32 @!p1 $0x0  }
0x14: {  	s2 =	sld [smem:$0x3F90];
	s0 =	simm.s32 @p1 $0x1  }
0x15: {  	[smem:$0x3FAD] =	sst s0;
	s0 =	simm.s32 @!p2 $0x0  }
0x16: {  	s3 =	sld [smem:$0x3FDB];
	s0 =	simm.s32 @p2 $0x1  }
0x17: {  	s4 =	simm.s32 $0x1BF5;
	[smem:$0x3FAF] =	sst s0  }
0x18: {  	s0 =	sld [smem:$0x3F92];
	_ =	swait.ge [sflag:s4], $0x0  }
0x19: {  	s7 =	sld [smem:$0x3F93]  }
0x1a: {  	s8 =	sadd.s32 $0xFFFFE003, lr  }
0x1b: {  	s9 =	sadd.s32 $0xFFFFFEF7, lr;
	s5 =	simm.s32 $0xFFFFFFFF;
	p2 =	slt.u32 s8, $0xFFFFF086  }
0x1c: {  	p1 =	slt.u32 s9, $0xF7A;
	s5 =	simm.s32 @!p2 $0x0  }
0x1d: {  	s5 =	simm.s32 @p1 $0x1;
	p0 =	seq.s32 s7, s2  }
0x1e: {  	s7 =	smul.u32 @!p0 $0xF7A, s2;
	p2 =	seq.s32 @!p0 s5, $0x0  }
0x1f: {  	s9 =	smul.u32 $0xF7A, s1;
	s8 =	simm.s32 @!p0 $0x1BF5;
	p2 =	por !p2, p0  }
0x20: {  	[sflag:s8] =	ssyncset.s32 @!p0 $0xFFFFF086;
	s6 =	sadd.s32 @!p0 s3, s7;
	s7 =	simm.s32 @!p0 $0x108  }
0x21: {  	s3 =	sadd.s32 s3, s9;
	s6 =	sadd.s32 @!p0 $0x88, s6;
	s7 =	simm.s32 @p2 $0x1082  }
0x22: {  	[simem:s7], [sflag:s8] =	dma.local @!p0 [hbm:s6], $0xF7A  }
0x23: {  	s9 =	sor.u32 $0xD0000000, s2;
	s6 =	simm.s32 $0x108;
	_ =	swait.ge @!p0 [sflag:s8], $0x0  }
0x24: {  	s3 =	sadd.s32 $0x88, s3;
	s6 =	simm.s32 @!p1 $0x1082;
	[sflag:s4] =	ssyncset.s32 $0xFFFFF086  }
0x25: {  	[simem:s6], [sflag:s4] =	dma.local [hbm:s3], $0xF7A  }
0x26: {  	[smem:$0x3F93] =	sst s1;
	(tag) =	ssettag s2;
	_ =	strace s9  }
0x27: {  	s1 =	sld [smem:$0x3FA3]  }
0x28: {  	s2 =	sld [smem:$0x3FA4]  }
0x29: {  	s4 =	sld [smem:$0x3FA6]  }
0x2a: {  	p0 =	seq.s32 s5, $0x0;
	s5 =	sld [smem:$0x3FA7]  }
0x2b: {  	s6 =	sld [smem:$0x3FA8]  }
0x2c: {  	s7 =	sld [smem:$0x3FA9]  }
0x2d: {  	s3 =	simm.s32 $0x108;
	s8 =	sld [smem:$0x3FAA]  }
0x2e: {  	s3 =	simm.s32 @!p0 $0x1082;
	s9 =	sld [smem:$0x3FAB]  }
0x2f: {  	lr =	sadd.s32 s0, s3;
	s0 =	sld [smem:$0x3FA2]  }
0x30: {  	s3 =	sld [smem:$0x3FA5]  }
0x31: {  	[smem:$0x3FAE] =	sst s10  }
0x32: {  	s10 =	sld [smem:$0x3FAC];
	_ =	sdelay $0x3  }
0x33: {  	p0 =	seq.s32 s10, $0x1;
	s10 =	sld [smem:$0x3FAE];
	_ =	sdelay $0x3  }
0x34: {  	[smem:$0x3FAE] =	sst s10  }
0x35: {  	s10 =	sld [smem:$0x3FAD];
	_ =	sdelay $0x3  }
0x36: {  	p1 =	seq.s32 s10, $0x1;
	s10 =	sld [smem:$0x3FAE];
	_ =	sdelay $0x3  }
0x37: {  	[smem:$0x3FAE] =	sst s10  }
0x38: {  	s10 =	sld [smem:$0x3FAF]  }
0x39: {  	_ = 	snop;
	(pc) =	sbr.ind lr, $3  }
0x3a: {  	_ = 	snop  }
0x3b: {  	_ = 	snop  }
0x3c: {  	p2 =	seq.s32 s10, $0x1;
	s10 =	sld [smem:$0x3FAE]  }
0x3d: {  	_ =	shalt  }
0x3e: {  	_ =	shalt  }
0x3f: {  	_ =	shalt  }
0x40: {  	_ =	shalt  }
0x41: {  	_ =	shalt  }
0x42: {  	_ =	shalt  }
0x43: {  	_ =	shalt  }
0x44: {  	_ =	shalt  }
0x45: {  	_ =	shalt  }
0x46: {  	_ =	shalt  }
0x47: {  	_ =	shalt  }
0x48: {  	_ =	shalt  }
0x49: {  	_ =	shalt  }
0x4a: {  	_ =	shalt  }
0x4b: {  	_ =	shalt  }
0x4c: {  	_ =	shalt  }
0x4d: {  	_ =	shalt  }
0x4e: {  	_ =	shalt  }
0x4f: {  	_ =	shalt  }
0x50: {  	_ =	shalt  }
0x51: {  	_ =	shalt  }
0x52: {  	_ =	shalt  }
0x53: {  	_ =	shalt  }
0x54: {  	_ =	shalt  }
0x55: {  	_ =	shalt  }
0x56: {  	_ =	shalt  }
0x57: {  	_ =	shalt  }
0x58: {  	_ =	shalt  }
0x59: {  	_ =	shalt  }
0x5a: {  	_ =	shalt  }
0x5b: {  	_ =	shalt  }
0x5c: {  	_ =	shalt  }
0x5d: {  	_ =	shalt  }
0x5e: {  	_ =	shalt  }
0x5f: {  	_ =	shalt  }
0x60: {  	_ =	shalt  }
0x61: {  	_ =	shalt  }
0x62: {  	_ =	shalt  }
0x63: {  	_ =	shalt  }
0x64: {  	_ =	shalt  }
0x65: {  	_ =	shalt  }
0x66: {  	_ =	shalt  }
0x67: {  	_ =	shalt  }
0x68: {  	_ =	shalt  }
0x69: {  	_ =	shalt  }
0x6a: {  	_ =	shalt  }
0x6b: {  	_ =	shalt  }
0x6c: {  	_ =	shalt  }
0x6d: {  	_ =	shalt  }
0x6e: {  	_ =	shalt  }
0x6f: {  	_ =	shalt  }
0x70: {  	_ =	shalt  }
0x71: {  	_ =	shalt  }
0x72: {  	_ =	shalt  }
0x73: {  	_ =	shalt  }
0x74: {  	_ =	shalt  }
0x75: {  	_ =	shalt  }
0x76: {  	_ =	shalt  }
0x77: {  	_ =	shalt  }
0x78: {  	_ =	shalt  }
0x79: {  	_ =	shalt  }
0x7a: {  	_ =	shalt  }
0x7b: {  	_ =	shalt  }
0x7c: {  	_ =	shalt  }
0x7d: {  	_ =	shalt  }
0x7e: {  	_ =	shalt  }
0x7f: {  	_ =	shalt  }
0x80: {  	_ =	shalt  }
0x81: {  	_ =	shalt  }
0x82: {  	_ =	shalt  }
0x83: {  	_ =	shalt  }
0x84: {  	_ =	shalt  }
0x85: {  	_ =	shalt  }
0x86: {  	_ =	shalt  }
0x87: {  	_ =	shalt  }
.Lfunc_end0:
.L_simem_size_0:
called_computation_lowered:
.L_overlay_start_0:
0x88: {  	s2 =	sld [smem:$0x3FD9]  }
0x89: {  	s3 =	sld [smem:$0x3FFE];
	_ =	sdelay $0x1  }
0x8a: {  	s1 =	srdreg.scid  }
0x8b: {  	s0 =	sand.u32 $0x1, s1  }
0x8c: {  	s16 =	sshll.u32 s0, $0xA;
	s2 =	sadd.s32 s3, s2  }
0x8d: {  	s2 =	sadd.s32 s2, s16  }
0x8e: {  	[smem:$0x3FBA] =	sst s2  }
0x8f: {  	_ = 	snop  }
0x90: {  	(tm) =	ssettm $0x1  }
0x91: {  	s17 =	sld [smem:$0x3FFB];
	_ =	sdelay $0x3  }
0x92: {  	_ =	strace s17  }
0x93: {  	s2 =	sld [smem:$0x3FFC];
	_ =	sdelay $0x3  }
0x94: {  	_ =	strace s2  }
0x95: {  	s2 =	sld [smem:$0x3FFD];
	_ =	sdelay $0x3  }
0x96: {  	_ =	strace s2  }
0x97: {  	_ =	strace $0x8FFFFFFF  }
0x98: {  	s18 =	sld [smem:$0x3FDB];
	_ =	sdelay $0x1  }
0x99: {  	s19 =	simm.s32 $_scs_section_size  }
0x9a: {  	s4 =	simm.s32 $_size__tile_overlayer_lowered;
	s5 =	simm.s32 $_tile_overlayer_lowered  }
0x9b: {  	s22 =	simm.s32 $0x1BFF;
	s21 =	sshll.u32 s5, $0x1;
	s2 =	sadd.s32 s19, s18  }
0x9c: {  	s6 =	simm.s32 $0x0;
	s20 =	sshll.u32 s4, $0x1;
	s4 =	sadd.s32 s21, s2  }
0x9d: {  	[timem:s6], [sflag:s22] =	dma.local [hbm:s4], s20  }
0x9e: {  	_ =	swait.ge [sflag:s22], s20  }
0x9f: {  	s3 =	ssub.s32 $0x0, s20;
	[sflag:s22] =	ssyncset.done $0x0  }
0xa0: {  	[sflag:s22] =	ssyncadd.s32 s3;
	_ =	sdelay $0x1  }
0xa1: {  	s23 =	simm.s32 $0x1B8B  }
0xa2: {  	_ =	swait.ge [sflag:s23], $0x1  }
0xa3: {  	[sflag:s23] =	ssyncset.done $0x0  }
0xa4: {  	s25 =	simm.s32 $0x1B8E;
	s24 =	sld [smem:$0x3FFE];
	[sflag:s23] =	ssyncadd.s32 $0xFFFFFFFF  }
0xa5: {  	s26 =	simm.s32 $execute0_lowered;
	[smem:$0x3FD2] =	sst s25  }
0xa6: {  	s4 =	sshll.u32 s26, $0x1;
	_ =	strace $0x80000046;
	[dreg:$0x1] =	wrdreg $0xFFFFFFFF  }
0xa7: {  	s28 =	simm.s32 $_size_execute0_lowered;
	s2 =	sadd.s32 s2, s4;
	[dreg:$0x0] =	wrdreg $0x0  }
0xa8: {  	s4 =	sshll.u32 s28, $0x1;
	[dreg:$0x2] =	wrdreg s2  }
0xa9: {  	[dreg:$0x3] =	wrdreg s4  }
0xaa: {  	[dreg:$0x4] =	wrdreg $0xC0  }
0xab: {  	_ =	task [dreg:s6], $0x5FFFF  }
0xac: {  	[dreg:$0x1] =	wrdreg $0xFFFFFFFF  }
0xad: {  	[dreg:$0x0] =	wrdreg $0x60  }
0xae: {  	[dreg:$0x2] =	wrdreg s24  }
0xaf: {  	[dreg:$0x3] =	wrdreg $0x9  }
0xb0: {  	_ =	task.clear_ibuf [dreg:s6], $0x4FFFF;
	_ =	strace $0x90000046  }
0xb1: {  	s29 =	simm.s32 $0x9;
	_ =	strace $0x80000048  }
0xb2: {  	_ =	swait.ge [sflag:s29], $0x1  }
0xb3: {  	[sflag:s29] =	ssyncadd.s32 $0xFFFFFFFF  }
0xb4: {  	_ =	strace $0x90000048  }
0xb5: {  	_ =	sfence  }
0xb6: {  	s30 =	sld [smem:$0x0];
	_ =	sdelay $0x2  }
0xb7: {  	s31 =	sshll.u32 s1, $0xD;
	s1 =	sshrl.u32 s1, $0x2  }
0xb8: {  	s3 =	sand.u32 $0x4000, s31;
	s1 =	sadd.s32 s1, s30  }
0xb9: {  	s0 =	sor.u32 s3, s0;
	s1 =	sshll.u32 s1, $0x11  }
0xba: {  	s0 =	sor.u32 s1, s0  }
0xbb: {  	s0 =	sadd.s32 $0x8F2B, s0  }
0xbc: {  	[sflag:s0] =	ssyncadd.remote.s32 $0x1  }
0xbd: {  	_ =	sfence.sel $0xFFFF  }
0xbe: {  	[dreg:$0x0] =	wrdreg $0xFFFFFFFF;
	(pc) =	sbr.abs _section_cstart, $3  }
0xbf: {  	[dreg:$0x1] =	wrdreg $0xFFFFFFFF  }
0xc0: {  	_ =	task.clear_ibuf [dreg:s6], $0x2FFFF;
	_ =	strace $0x9FFFFFFF  }
0xc1: {  	(tm) =	ssettm $0x7FFFFFFF  }
tec
execute0_lowered:
.L_overlay_start_1:
0x0: {  	(tag) =	ssettag $0x1  }
0x1: {  	s1 =	srdreg.scid  }
0x2: {  	s0 =	stileid.u32;
	s5 =	rddreg [dreg:$0x0]  }
0x3: {  	s2 =	simm.s32 $0x0;
	s14 =	simm.s32 $0x2;
	s15 =	simm.s32 $0x0  }
0x4: {  	s6 =	sand.u32 $0x1, s1;
	s1 =	rddreg [dreg:$0x1];
	s7 =	smul.u32 $0xD000, s0  }
0x5: {  	s3 =	sshll.u32 s0, $0x1;
	[smem:$0x7FF] =	sst s2;
	s9 =	smul.u32 $0xD00, s0  }
0x6: {  	s4 =	sadd.s32 $0xEC00, s5;
	s3 =	sor.u32 s6, s3;
	s11 =	smul.u32 $0x680, s6  }
0x7: {  	_ =	strace $0x80000047;
	s10 =	ssub.s32 $0x2, s6;
	s13 =	smul.u32 $0x6800, s6  }
0x8: {  	s3 =	smul.u32 $0x680, s3;
	s12 =	sshrl.u32 s10, $0x1;
	s9 =	sadd.s32 s9, s5  }
0x9: {  	s7 =	sadd.s32 s7, s5;
	s29 =	ssub.s32 s10, s12;
	s30 =	sadd.s32 s11, s9  }
0xa: {  	s31 =	sadd.s32 s13, s7;
	s9 =	simm.s32 $0x3;
	s10 =	simm.s32 $0x80  }
0xb: {  	s11 =	simm.s32 $0x3400;
	s12 =	simm.s32 $0x3C00;
	s13 =	simm.s32 $0x1  }
0xc: {  	s8 =	sadd.s32 s3, s5;
	s3 =	sadd.s32 $0xF44000, s5;
	s6 =	smax.u32 s29, $0x1  }
0xd: {  	s7 =	sadd.s32 $0xFD600, s30;
	s5 =	sadd.s32 $0x1C00, s8;
	s8 =	sadd.s32 $0x2D600, s31  }
.LBB2_1:
0xe: {  	[tilespmem:s2], [sflag:$0x3] =	stream.linear.gather [hbm4b:s5+s2], $0x3400, $0x38;
	[tilespmem:$0x3C80] =	vst v63  }
0xf: {  	_ =	swait.ge [sflag:s9], $0x3400  }
0x10: {  	[sflag:s9] =	ssyncset.done $0x0  }
0x11: {  	[sflag:s9] =	ssyncadd.s32 $0xFFFFCC00  }
0x12: {  	[tilespmem:s11], [sflag:$0x1] =	stream.indirect.gather [hbm4b:s3+s10], $0x10, s2, s10, $0xb8;
	[tilespmem:$0x3C80] =	vst v63  }
0x13: {  	_ = 	snop  }
0x14: {  	[tilespmem:s12], [sflag:$0x2] =	stream.indirect.gather [hbm4b:s4+s10], $0x1, s2, s10, $0xb8;
	[tilespmem:$0x3C80] =	vst v63  }
0x15: {  	_ =	swait.ge [sflag:s13], $0x800  }
0x16: {  	[sflag:s13] =	ssyncset.done $0x0  }
0x17: {  	[sflag:s13] =	ssyncadd.s32 $0xFFFFF800  }
0x18: {  	_ =	swait.ge [sflag:s14], $0x80  }
0x19: {  	[sflag:s14] =	ssyncset.done $0x0  }
0x1a: {  	[sflag:s14] =	ssyncadd.s32 $0xFFFFFF80  }
0x1b: {  	[hbm4b:s8+s2] =	stream.linear.scatter [tilespmem:s11], [sflag:$0x3], $0x800, $0x38;
	[tilespmem:$0x3C80] =	vst v63  }
0x1c: {  	_ =	swait.ge [sflag:s9], $0x800  }
0x1d: {  	[sflag:s9] =	ssyncset.done $0x0  }
0x1e: {  	s16 =	sadd.s32 $0x0, s7;
	[sflag:s9] =	ssyncadd.s32 $0xFFFFF800  }
0x1f: {  	[hbm4b:s16+s2] =	stream.linear.scatter [tilespmem:s12], [sflag:$0x3], $0x80, $0x38;
	[tilespmem:$0x3C80] =	vst v63  }
0x20: {  	s17 =	smov.u32 s8;
	_ =	swait.ge [sflag:s9], $0x80  }
0x21: {  	s18 =	simm.s32 $0x0;
	s16 =	simm.s32 $0x10;
	[sflag:s9] =	ssyncset.done $0x0  }
.LBB2_2:
0x22: {  	[sflag:s9] =	ssyncadd.s32 $0xFFFFFF80;
	s17 =	sadd.s32 $0x100, s17;
	s18 =	sadd.s32 $0x80, s18  }
0x23: {  	[tilespmem:s11], [sflag:$0x1] =	stream.indirect.gather [hbm4b:s3+s10], $0x10, s18, s10, $0xb8;
	[tilespmem:$0x3C80] =	vst v63  }
0x24: {  	p0 =	sne.s32 s16, $0x670;
	s19 =	smov.u32 s16;
	s16 =	sadd.s32 $0x10, s16  }
0x25: {  	[tilespmem:s12], [sflag:$0x2] =	stream.indirect.gather [hbm4b:s4+s10], $0x1, s18, s10, $0xb8;
	[tilespmem:$0x3C80] =	vst v63  }
0x26: {  	_ =	swait.ge [sflag:s13], $0x800  }
0x27: {  	[sflag:s13] =	ssyncset.done $0x0  }
0x28: {  	[sflag:s13] =	ssyncadd.s32 $0xFFFFF800  }
0x29: {  	_ =	swait.ge [sflag:s14], $0x80  }
0x2a: {  	[sflag:s14] =	ssyncset.done $0x0  }
0x2b: {  	[sflag:s14] =	ssyncadd.s32 $0xFFFFFF80  }
0x2c: {  	[hbm4b:s17+s2] =	stream.linear.scatter [tilespmem:s11], [sflag:$0x3], $0x800, $0x38;
	[tilespmem:$0x3C80] =	vst v63  }
0x2d: {  	_ =	swait.ge [sflag:s9], $0x800  }
.Ltmp0:
0x2e: {  	[sflag:s9] =	ssyncset.done $0x0;
	(pc) =	sbr.rel @p0 .LBB2_2-.Ltmp0, $4  }
0x2f: {  	s19 =	sadd.s32 s19, s7;
	[sflag:s9] =	ssyncadd.s32 $0xFFFFF800  }
0x30: {  	[hbm4b:s19+s2] =	stream.linear.scatter [tilespmem:s12], [sflag:$0x3], $0x80, $0x38;
	[tilespmem:$0x3C80] =	vst v63  }
0x31: {  	_ =	swait.ge [sflag:s9], $0x80  }
0x32: {  	[sflag:s9] =	ssyncset.done $0x0  }
0x33: {  	s15 =	sadd.s32 $0x1, s15  }
0x34: {  	p0 =	sne.s32 s15, s6  }
.Ltmp1:
0x35: {  	_ = 	snop;
	(pc) =	sbr.rel @p0 .LBB2_1-.Ltmp1, $2  }
0x36: {  	_ =	sdelay $0x2  }
0x37: {  	[sflag:s9] =	ssyncadd.s32 $0xFFFFFF80  }
0x38: {  	_ =	sfence.sel $0x180000  }
0x39: {  	[bflag:$0x0] =	sbarrier.arrive $0xFFFF  }
0x3a: {  	p0 =	sne.s32 s0, $0x0;
	_ =	strace $0x90000047  }
0x3b: {  	s0 =	sadd.s32 @!p0 $0x100000, s1;
	[bflag:$0x2] =	sbarrier.arrive $0xFFFF  }
0x3c: {  	[sflag:s0] =	ssyncadd.tile.s32 @!p0 $0x1;
	_ =	shalt  }
.Lfunc_end2:
_tile_overlayer_lowered:
.L_overlay_start_2:
0x3d: {  	(tag) =	ssettag $0x2  }
0x3e: {  	s0 =	rddreg [dreg:$0x0];
	s2 =	stileid.u32  }
0x3f: {  	s1 =	rddreg [dreg:$0x1];
	p0 =	sne.s32 s2, $0x0  }
0x40: {  	s3 =	rddreg [dreg:$0x2];
	[bflag:$0x3] =	sbarrier.arrive $0xFFFF;
	s2 =	simm.s32 @!p0 $0x1C03  }
0x41: {  	[timem:s3], [sflag:s2] =	dma.local @!p0 [hbm:s0], s1  }
0x42: {  	s0 =	simm.s32 @!p0 $0x3  }
0x43: {  	_ =	swait.ge @!p0 [sflag:s0], s1  }
0x44: {  	s1 =	ssub.s32 @!p0 $0x0, s1;
	[sflag:s0] =	ssyncset.done @!p0 $0x0  }
0x45: {  	[sflag:s0] =	ssyncadd.s32 @!p0 s1  }
0x46: {  	[bflag:$0x3] =	sbarrier.arrive $0xFFFF  }
0x47: {  	_ =	shalt  }

</sc_bundles>
